<compile_context>
chip_gen: v7x
topology: tpu7x:2x2x1
jax: 0.10.2.dev20260603
libtpu: 0.0.44.dev20260713+nightly
codegen_flags: <defaults>
</compile_context>

<pallas_src>
import functools

import jax
import jax.numpy as jnp
from jax import lax
from jax.experimental import pallas as pl
from jax.experimental.pallas import tpu as pltpu
from jax.experimental.pallas import tpu_sc as plsc

NUM_TEAMS = 100000
NUM_FEATURES = 128
BATCH = 16384

_info = plsc.get_sparse_core_info()
_NC, _NS, _L = _info.num_cores, _info.num_subcores, _info.num_lanes
_NW = _NC * _NS
_BPW = BATCH // _NW


def _sc_gather_diff_body(strengths_hbm, home_hbm, away_hbm, out_hbm,
                         hidx_v, aidx_v, hval_v, aval_v, tbl_spmem,
                         sem_h, sem_a):
    wid = lax.axis_index("s") * _NC + lax.axis_index("c")
    base = wid * _BPW
    cp_hi = pltpu.async_copy(home_hbm.at[pl.ds(base, _BPW)], hidx_v, sem_h)
    cp_ai = pltpu.async_copy(away_hbm.at[pl.ds(base, _BPW)], aidx_v, sem_a)

    @pl.when(lax.axis_index("s") == 0)
    def _stage():
        pltpu.sync_copy(strengths_hbm, tbl_spmem)

    plsc.subcore_barrier()
    cp_hi.wait()
    cp_h = pltpu.async_copy(tbl_spmem.at[hidx_v], hval_v, sem_h)
    cp_ai.wait()
    cp_a = pltpu.async_copy(tbl_spmem.at[aidx_v], aval_v, sem_a)
    cp_h.wait()
    cp_a.wait()
    for i in range(_BPW // _L):
        sl = pl.ds(i * _L, _L)
        hval_v[sl] = hval_v[sl] - aval_v[sl]
    pltpu.sync_copy(hval_v, out_hbm.at[pl.ds(base, _BPW)])


@jax.jit
def _sc_gather_diff(strengths, home_idx, away_idx):
    mesh = plsc.VectorSubcoreMesh(core_axis_name="c", subcore_axis_name="s")
    return pl.kernel(
        _sc_gather_diff_body,
        out_type=jax.ShapeDtypeStruct((BATCH,), jnp.float32),
        mesh=mesh,
        scratch_types=[
            pltpu.VMEM((_BPW,), jnp.int32),
            pltpu.VMEM((_BPW,), jnp.int32),
            pltpu.VMEM((_BPW,), jnp.float32),
            pltpu.VMEM((_BPW,), jnp.float32),
            pltpu.VMEM_SHARED((NUM_TEAMS,), jnp.float32),
            pltpu.SemaphoreType.DMA,
            pltpu.SemaphoreType.DMA,
        ],
    )(strengths, home_idx, away_idx)


def _tc_matvec_body(x1_ref, x2_ref, x3_ref, x4_ref, beta_ref, mu_ref,
                    out1_ref, out2_ref, out3_ref, out4_ref):
    b = beta_ref[...]
    mu = mu_ref[0]
    for x_ref, o_ref in ((x1_ref, out1_ref), (x2_ref, out2_ref),
                         (x3_ref, out3_ref), (x4_ref, out4_ref)):
        s = jax.lax.dot_general(b, x_ref[0], (((1,), (1,)), ((), ())),
                                preferred_element_type=jnp.float32)
        o_ref[...] = (s + mu)[None]


def _tc_add_body(y1_ref, y2_ref, y3_ref, y4_ref, diff_ref, out_ref):
    q = BATCH // 4
    for k, y_ref in enumerate((y1_ref, y2_ref, y3_ref, y4_ref)):
        out_ref[pl.ds(k * q, q)] = y_ref[...] + diff_ref[pl.ds(k * q, q)]


@jax.jit
def _fused(X, beta, mu, home_idx, away_idx, strengths):
    n_blocks = 2
    quarter = BATCH // 4
    bs = quarter // n_blocks
    X4 = X.reshape(4, quarter, NUM_FEATURES)
    x_spec = [
        pl.BlockSpec((1, bs, NUM_FEATURES), lambda i, k=k: (k, i, 0))
        for k in range(4)
    ]
    o_spec = [pl.BlockSpec((1, 1, bs), lambda i: (i, 0, 0)) for _ in range(4)]
    ys = pl.pallas_call(
        _tc_matvec_body,
        grid=(n_blocks,),
        in_specs=x_spec + [
            pl.BlockSpec((1, NUM_FEATURES), lambda i: (0, 0)),
            pl.BlockSpec((1,), lambda i: (0,)),
        ],
        out_specs=o_spec,
        out_shape=[jax.ShapeDtypeStruct((n_blocks, 1, bs), jnp.float32)
                   for _ in range(4)],
    )(X4, X4, X4, X4, beta.reshape(1, NUM_FEATURES), mu)
    diff = _sc_gather_diff(strengths, home_idx, away_idx)
    return pl.pallas_call(
        _tc_add_body,
        out_shape=jax.ShapeDtypeStruct((BATCH,), jnp.float32),
    )(*[y.reshape(quarter) for y in ys], diff)


def kernel(home_idx, away_idx, X, strengths, beta, mu):
    home_idx = home_idx.astype(jnp.int32)
    away_idx = away_idx.astype(jnp.int32)
    return _fused(X, beta, mu, home_idx, away_idx, strengths)

# --- scband reference (transcript-rebuilt; emitter-appended) ---
"""Pipeline reference for scband-bnstrength-logit-62938450755848 (READ-ONLY COPY).

The authoritative reference and input builder live on the scoring server;
editing this copy changes nothing except your own understanding.
"""

import jax, jax.numpy as jnp
import numpy as np

NUM_TEAMS = 100000
NUM_FEATURES = 128
BATCH = 16384


def setup_inputs(seed: int = 0) -> dict:
    key = jax.random.key(seed)
    k1, k2, k3, k4, k5, k6 = jax.random.split(key, 6)
    home_idx = jax.random.randint(k1, (BATCH,), 0, NUM_TEAMS, dtype=jnp.int64 if jax.config.jax_enable_x64 else jnp.int32)
    away_idx = jax.random.randint(k2, (BATCH,), 0, NUM_TEAMS, dtype=jnp.int64 if jax.config.jax_enable_x64 else jnp.int32)
    X = jax.random.normal(k3, (BATCH, NUM_FEATURES), dtype=jnp.float32)
    # learned parameters (nn.Parameter in torch; initialized randomly here so output is nontrivial)
    strengths = jax.random.normal(k4, (NUM_TEAMS,), dtype=jnp.float32) * 0.01
    beta = jax.random.normal(k5, (NUM_FEATURES,), dtype=jnp.float32) * 0.01
    mu = jax.random.normal(k6, (1,), dtype=jnp.float32) * 0.01
    return {"home_idx": home_idx, "away_idx": away_idx, "X": X, "strengths": strengths, "beta": beta, "mu": mu}


def reference(home_idx, away_idx, X, strengths, beta, mu):
    # gather team strengths (embedding lookup on a [num_teams] table)
    s_home = jnp.take(strengths, home_idx, axis=0)
    s_away = jnp.take(strengths, away_idx, axis=0)
    z = mu + (s_home - s_away) + X @ beta
    return z

if __name__ == "__main__":
    import jax
    _d = setup_inputs()
    print(jax.jit(kernel)(*tuple(_d.values())))

</pallas_src>

<mosaic_0001>
#map = affine_map<(d0, d1) -> (0)>
module attributes {stable_mosaic.version = 14 : i64} {
  func.func @_sc_gather_diff_body(%arg0: i32, %arg1: i32, %arg2: memref<100000xf32, #tpu.memory_space<hbm>>, %arg3: memref<16384xi32, #tpu.memory_space<hbm>>, %arg4: memref<16384xi32, #tpu.memory_space<hbm>>, %arg5: memref<16384xf32, #tpu.memory_space<hbm>>, %arg6: memref<512xi32, #tpu.memory_space<vmem>>, %arg7: memref<512xi32, #tpu.memory_space<vmem>>, %arg8: memref<512xf32, #tpu.memory_space<vmem>>, %arg9: memref<512xf32, #tpu.memory_space<vmem>>, %arg10: memref<100000xf32, #tpu.memory_space<vmem_shared>>, %arg11: memref<!tpu.dma_semaphore, #tpu.memory_space<semaphore_mem>>, %arg12: memref<!tpu.dma_semaphore, #tpu.memory_space<semaphore_mem>>) attributes {dimension_semantics = [#tpu.dimension_semantics<core_parallel>, #tpu.dimension_semantics<subcore_parallel>], iteration_bounds = array<i64: 2, 16>, scalar_prefetch = 0 : i64, scratch_operands = 7 : i64, tpu.core_type = #tpu.core_type<sc_vector_subcore>, window_params = [{transform_indices = #map}, {transform_indices = #map}, {transform_indices = #map}, {transform_indices = #map}]} {
    %mul3A = arith.constant 2 : i32
    %mul3A_0 = arith.muli %arg1, %mul3A : i32
    %add3A = arith.addi %mul3A_0, %arg0 : i32
    %mul3A_1 = arith.constant 512 : i32
    %mul3A_2 = arith.muli %add3A, %mul3A_1 : i32
    %dma_start3A = tpu.memref_slice %arg3[%mul3A_2] : memref<16384xi32, #tpu.memory_space<hbm>> -> memref<512xi32, #tpu.memory_space<hbm>>
    %dma_start3A_3 = tpu.memref_slice %arg3[%mul3A_2] : memref<16384xi32, #tpu.memory_space<hbm>> -> memref<512xi32, #tpu.memory_space<hbm>>
    tpu.enqueue_dma source(%dma_start3A_3 : memref<512xi32, #tpu.memory_space<hbm>>) target(%arg6 : memref<512xi32, #tpu.memory_space<vmem>>) target_semaphore(%arg11 : memref<!tpu.dma_semaphore, #tpu.memory_space<semaphore_mem>>)
    %dma_start3A_4 = tpu.memref_slice %arg4[%mul3A_2] : memref<16384xi32, #tpu.memory_space<hbm>> -> memref<512xi32, #tpu.memory_space<hbm>>
    %dma_start3A_5 = tpu.memref_slice %arg4[%mul3A_2] : memref<16384xi32, #tpu.memory_space<hbm>> -> memref<512xi32, #tpu.memory_space<hbm>>
    tpu.enqueue_dma source(%dma_start3A_5 : memref<512xi32, #tpu.memory_space<hbm>>) target(%arg7 : memref<512xi32, #tpu.memory_space<vmem>>) target_semaphore(%arg12 : memref<!tpu.dma_semaphore, #tpu.memory_space<semaphore_mem>>)
    %eq3A = arith.constant 0 : i32
    %eq3A_6 = arith.cmpi eq, %arg1, %eq3A : i32
    %convert_element_type3A = arith.extui %eq3A_6 : i1 to i32
    %cond3A = arith.constant 0 : i32
    %cond3A_7 = arith.cmpi ne, %convert_element_type3A, %cond3A : i32
    scf.if %cond3A_7 {
      "tpu.region"() ({
        %run_scoped3A = tpu.sem_alloc : memref<!tpu.dma_semaphore, #tpu.memory_space<semaphore_mem>>
        tpu.enqueue_dma source(%arg2 : memref<100000xf32, #tpu.memory_space<hbm>>) target(%arg10 : memref<100000xf32, #tpu.memory_space<vmem_shared>>) target_semaphore(%run_scoped3A : memref<!tpu.dma_semaphore, #tpu.memory_space<semaphore_mem>>)
        tpu.wait_dma2 semaphore(%run_scoped3A : memref<!tpu.dma_semaphore, #tpu.memory_space<semaphore_mem>>) src(%arg2 : memref<100000xf32, #tpu.memory_space<hbm>>) dst(%arg10 : memref<100000xf32, #tpu.memory_space<vmem_shared>>)
        tpu.yield
      }) : () -> ()
    } else {
    }
    %barrier3A = arith.constant 0 : index
    tpu.barrier barrier_id(%barrier3A)
    %dma_wait3A = tpu.memref_slice %arg3[%mul3A_2] : memref<16384xi32, #tpu.memory_space<hbm>> -> memref<512xi32, #tpu.memory_space<hbm>>
    %dma_wait3A_8 = tpu.memref_slice %arg3[%mul3A_2] : memref<16384xi32, #tpu.memory_space<hbm>> -> memref<512xi32, #tpu.memory_space<hbm>>
    tpu.wait_dma2 semaphore(%arg11 : memref<!tpu.dma_semaphore, #tpu.memory_space<semaphore_mem>>) src(%dma_wait3A_8 : memref<512xi32, #tpu.memory_space<hbm>>) dst(%arg6 : memref<512xi32, #tpu.memory_space<vmem>>)
    %dma_start3A_9 = arith.constant 0 : i32
    %dma_start3A_10 = tpu.memref_slice %arg10[%dma_start3A_9] : memref<100000xf32, #tpu.memory_space<vmem_shared>> -> memref<100000xf32, #tpu.memory_space<vmem_shared>>
    tpu.enqueue_indirect_dma source(%dma_start3A_10 : memref<100000xf32, #tpu.memory_space<vmem_shared>>) target(%arg8 : memref<512xf32, #tpu.memory_space<vmem>>) offsets(%arg6 : memref<512xi32, #tpu.memory_space<vmem>>) semaphore(%arg11 : memref<!tpu.dma_semaphore, #tpu.memory_space<semaphore_mem>>)
    %dma_wait3A_11 = tpu.memref_slice %arg4[%mul3A_2] : memref<16384xi32, #tpu.memory_space<hbm>> -> memref<512xi32, #tpu.memory_space<hbm>>
    %dma_wait3A_12 = tpu.memref_slice %arg4[%mul3A_2] : memref<16384xi32, #tpu.memory_space<hbm>> -> memref<512xi32, #tpu.memory_space<hbm>>
    tpu.wait_dma2 semaphore(%arg12 : memref<!tpu.dma_semaphore, #tpu.memory_space<semaphore_mem>>) src(%dma_wait3A_12 : memref<512xi32, #tpu.memory_space<hbm>>) dst(%arg7 : memref<512xi32, #tpu.memory_space<vmem>>)
    %dma_start3A_13 = arith.constant 0 : i32
    %dma_start3A_14 = tpu.memref_slice %arg10[%dma_start3A_13] : memref<100000xf32, #tpu.memory_space<vmem_shared>> -> memref<100000xf32, #tpu.memory_space<vmem_shared>>
    tpu.enqueue_indirect_dma source(%dma_start3A_14 : memref<100000xf32, #tpu.memory_space<vmem_shared>>) target(%arg9 : memref<512xf32, #tpu.memory_space<vmem>>) offsets(%arg7 : memref<512xi32, #tpu.memory_space<vmem>>) semaphore(%arg12 : memref<!tpu.dma_semaphore, #tpu.memory_space<semaphore_mem>>)
    %dma_wait3A_15 = arith.constant 0 : i32
    %dma_wait3A_16 = tpu.memref_slice %arg10[%dma_wait3A_15] : memref<100000xf32, #tpu.memory_space<vmem_shared>> -> memref<100000xf32, #tpu.memory_space<vmem_shared>>
    tpu.wait_indirect_dma semaphore(%arg11 : memref<!tpu.dma_semaphore, #tpu.memory_space<semaphore_mem>>) src(%dma_wait3A_16 : memref<100000xf32, #tpu.memory_space<vmem_shared>>) dst(%arg8 : memref<512xf32, #tpu.memory_space<vmem>>)
    %dma_wait3A_17 = arith.constant 0 : i32
    %dma_wait3A_18 = tpu.memref_slice %arg10[%dma_wait3A_17] : memref<100000xf32, #tpu.memory_space<vmem_shared>> -> memref<100000xf32, #tpu.memory_space<vmem_shared>>
    tpu.wait_indirect_dma semaphore(%arg12 : memref<!tpu.dma_semaphore, #tpu.memory_space<semaphore_mem>>) src(%dma_wait3A_18 : memref<100000xf32, #tpu.memory_space<vmem_shared>>) dst(%arg9 : memref<512xf32, #tpu.memory_space<vmem>>)
    %get3A = arith.constant 0 : index
    %get3A_19 = tpu.vector_load %arg8[%get3A] {strides = array<i32>} : memref<512xf32, #tpu.memory_space<vmem>>, vector<16xf32>,
    %get3A_20 = vector.shape_cast %get3A_19 : vector<16xf32> to vector<16xf32>
    %get3A_21 = arith.constant 0 : index
    %get3A_22 = tpu.vector_load %arg9[%get3A_21] {strides = array<i32>} : memref<512xf32, #tpu.memory_space<vmem>>, vector<16xf32>,
    %get3A_23 = vector.shape_cast %get3A_22 : vector<16xf32> to vector<16xf32>
    %sub3A = arith.subf %get3A_20, %get3A_23 : vector<16xf32>
    %swap3A = arith.constant 0 : index
    %swap3A_24 = tpu.vector_load %arg8[%swap3A] {strides = array<i32>} : memref<512xf32, #tpu.memory_space<vmem>>, vector<16xf32>,
    %swap3A_25 = vector.shape_cast %swap3A_24 : vector<16xf32> to vector<16xf32>
    %swap3A_26 = vector.shape_cast %sub3A : vector<16xf32> to vector<16xf32>
    tpu.vector_store %arg8[%swap3A], %swap3A_26 {strides = array<i32>} : memref<512xf32, #tpu.memory_space<vmem>>, vector<16xf32>,
    %get3A_27 = arith.constant 16 : index
    %get3A_28 = tpu.vector_load %arg8[%get3A_27] {strides = array<i32>} : memref<512xf32, #tpu.memory_space<vmem>>, vector<16xf32>,
    %get3A_29 = vector.shape_cast %get3A_28 : vector<16xf32> to vector<16xf32>
    %get3A_30 = arith.constant 16 : index
    %get3A_31 = tpu.vector_load %arg9[%get3A_30] {strides = array<i32>} : memref<512xf32, #tpu.memory_space<vmem>>, vector<16xf32>,
    %get3A_32 = vector.shape_cast %get3A_31 : vector<16xf32> to vector<16xf32>
    %sub3A_33 = arith.subf %get3A_29, %get3A_32 : vector<16xf32>
    %swap3A_34 = arith.constant 16 : index
    %swap3A_35 = tpu.vector_load %arg8[%swap3A_34] {strides = array<i32>} : memref<512xf32, #tpu.memory_space<vmem>>, vector<16xf32>,
    %swap3A_36 = vector.shape_cast %swap3A_35 : vector<16xf32> to vector<16xf32>
    %swap3A_37 = vector.shape_cast %sub3A_33 : vector<16xf32> to vector<16xf32>
    tpu.vector_store %arg8[%swap3A_34], %swap3A_37 {strides = array<i32>} : memref<512xf32, #tpu.memory_space<vmem>>, vector<16xf32>,
    %get3A_38 = arith.constant 32 : index
    %get3A_39 = tpu.vector_load %arg8[%get3A_38] {strides = array<i32>} : memref<512xf32, #tpu.memory_space<vmem>>, vector<16xf32>,
    %get3A_40 = vector.shape_cast %get3A_39 : vector<16xf32> to vector<16xf32>
    %get3A_41 = arith.constant 32 : index
    %get3A_42 = tpu.vector_load %arg9[%get3A_41] {strides = array<i32>} : memref<512xf32, #tpu.memory_space<vmem>>, vector<16xf32>,
    %get3A_43 = vector.shape_cast %get3A_42 : vector<16xf32> to vector<16xf32>
    %sub3A_44 = arith.subf %get3A_40, %get3A_43 : vector<16xf32>
    %swap3A_45 = arith.constant 32 : index
    %swap3A_46 = tpu.vector_load %arg8[%swap3A_45] {strides = array<i32>} : memref<512xf32, #tpu.memory_space<vmem>>, vector<16xf32>,
    %swap3A_47 = vector.shape_cast %swap3A_46 : vector<16xf32> to vector<16xf32>
    %swap3A_48 = vector.shape_cast %sub3A_44 : vector<16xf32> to vector<16xf32>
    tpu.vector_store %arg8[%swap3A_45], %swap3A_48 {strides = array<i32>} : memref<512xf32, #tpu.memory_space<vmem>>, vector<16xf32>,
    %get3A_49 = arith.constant 48 : index
    %get3A_50 = tpu.vector_load %arg8[%get3A_49] {strides = array<i32>} : memref<512xf32, #tpu.memory_space<vmem>>, vector<16xf32>,
    %get3A_51 = vector.shape_cast %get3A_50 : vector<16xf32> to vector<16xf32>
    %get3A_52 = arith.constant 48 : index
    %get3A_53 = tpu.vector_load %arg9[%get3A_52] {strides = array<i32>} : memref<512xf32, #tpu.memory_space<vmem>>, vector<16xf32>,
    %get3A_54 = vector.shape_cast %get3A_53 : vector<16xf32> to vector<16xf32>
    %sub3A_55 = arith.subf %get3A_51, %get3A_54 : vector<16xf32>
    %swap3A_56 = arith.constant 48 : index
    %swap3A_57 = tpu.vector_load %arg8[%swap3A_56] {strides = array<i32>} : memref<512xf32, #tpu.memory_space<vmem>>, vector<16xf32>,
    %swap3A_58 = vector.shape_cast %swap3A_57 : vector<16xf32> to vector<16xf32>
    %swap3A_59 = vector.shape_cast %sub3A_55 : vector<16xf32> to vector<16xf32>
    tpu.vector_store %arg8[%swap3A_56], %swap3A_59 {strides = array<i32>} : memref<512xf32, #tpu.memory_space<vmem>>, vector<16xf32>,
    %get3A_60 = arith.constant 64 : index
    %get3A_61 = tpu.vector_load %arg8[%get3A_60] {strides = array<i32>} : memref<512xf32, #tpu.memory_space<vmem>>, vector<16xf32>,
    %get3A_62 = vector.shape_cast %get3A_61 : vector<16xf32> to vector<16xf32>
    %get3A_63 = arith.constant 64 : index
    %get3A_64 = tpu.vector_load %arg9[%get3A_63] {strides = array<i32>} : memref<512xf32, #tpu.memory_space<vmem>>, vector<16xf32>,
    %get3A_65 = vector.shape_cast %get3A_64 : vector<16xf32> to vector<16xf32>
    %sub3A_66 = arith.subf %get3A_62, %get3A_65 : vector<16xf32>
    %swap3A_67 = arith.constant 64 : index
    %swap3A_68 = tpu.vector_load %arg8[%swap3A_67] {strides = array<i32>} : memref<512xf32, #tpu.memory_space<vmem>>, vector<16xf32>,
    %swap3A_69 = vector.shape_cast %swap3A_68 : vector<16xf32> to vector<16xf32>
    %swap3A_70 = vector.shape_cast %sub3A_66 : vector<16xf32> to vector<16xf32>
    tpu.vector_store %arg8[%swap3A_67], %swap3A_70 {strides = array<i32>} : memref<512xf32, #tpu.memory_space<vmem>>, vector<16xf32>,
    %get3A_71 = arith.constant 80 : index
    %get3A_72 = tpu.vector_load %arg8[%get3A_71] {strides = array<i32>} : memref<512xf32, #tpu.memory_space<vmem>>, vector<16xf32>,
    %get3A_73 = vector.shape_cast %get3A_72 : vector<16xf32> to vector<16xf32>
    %get3A_74 = arith.constant 80 : index
    %get3A_75 = tpu.vector_load %arg9[%get3A_74] {strides = array<i32>} : memref<512xf32, #tpu.memory_space<vmem>>, vector<16xf32>,
    %get3A_76 = vector.shape_cast %get3A_75 : vector<16xf32> to vector<16xf32>
    %sub3A_77 = arith.subf %get3A_73, %get3A_76 : vector<16xf32>
    %swap3A_78 = arith.constant 80 : index
    %swap3A_79 = tpu.vector_load %arg8[%swap3A_78] {strides = array<i32>} : memref<512xf32, #tpu.memory_space<vmem>>, vector<16xf32>,
    %swap3A_80 = vector.shape_cast %swap3A_79 : vector<16xf32> to vector<16xf32>
    %swap3A_81 = vector.shape_cast %sub3A_77 : vector<16xf32> to vector<16xf32>
    tpu.vector_store %arg8[%swap3A_78], %swap3A_81 {strides = array<i32>} : memref<512xf32, #tpu.memory_space<vmem>>, vector<16xf32>,
    %get3A_82 = arith.constant 96 : index
    %get3A_83 = tpu.vector_load %arg8[%get3A_82] {strides = array<i32>} : memref<512xf32, #tpu.memory_space<vmem>>, vector<16xf32>,
    %get3A_84 = vector.shape_cast %get3A_83 : vector<16xf32> to vector<16xf32>
    %get3A_85 = arith.constant 96 : index
    %get3A_86 = tpu.vector_load %arg9[%get3A_85] {strides = array<i32>} : memref<512xf32, #tpu.memory_space<vmem>>, vector<16xf32>,
    %get3A_87 = vector.shape_cast %get3A_86 : vector<16xf32> to vector<16xf32>
    %sub3A_88 = arith.subf %get3A_84, %get3A_87 : vector<16xf32>
    %swap3A_89 = arith.constant 96 : index
    %swap3A_90 = tpu.vector_load %arg8[%swap3A_89] {strides = array<i32>} : memref<512xf32, #tpu.memory_space<vmem>>, vector<16xf32>,
    %swap3A_91 = vector.shape_cast %swap3A_90 : vector<16xf32> to vector<16xf32>
    %swap3A_92 = vector.shape_cast %sub3A_88 : vector<16xf32> to vector<16xf32>
    tpu.vector_store %arg8[%swap3A_89], %swap3A_92 {strides = array<i32>} : memref<512xf32, #tpu.memory_space<vmem>>, vector<16xf32>,
    %get3A_93 = arith.constant 112 : index
    %get3A_94 = tpu.vector_load %arg8[%get3A_93] {strides = array<i32>} : memref<512xf32, #tpu.memory_space<vmem>>, vector<16xf32>,
    %get3A_95 = vector.shape_cast %get3A_94 : vector<16xf32> to vector<16xf32>
    %get3A_96 = arith.constant 112 : index
    %get3A_97 = tpu.vector_load %arg9[%get3A_96] {strides = array<i32>} : memref<512xf32, #tpu.memory_space<vmem>>, vector<16xf32>,
    %get3A_98 = vector.shape_cast %get3A_97 : vector<16xf32> to vector<16xf32>
    %sub3A_99 = arith.subf %get3A_95, %get3A_98 : vector<16xf32>
    %swap3A_100 = arith.constant 112 : index
    %swap3A_101 = tpu.vector_load %arg8[%swap3A_100] {strides = array<i32>} : memref<512xf32, #tpu.memory_space<vmem>>, vector<16xf32>,
    %swap3A_102 = vector.shape_cast %swap3A_101 : vector<16xf32> to vector<16xf32>
    %swap3A_103 = vector.shape_cast %sub3A_99 : vector<16xf32> to vector<16xf32>
    tpu.vector_store %arg8[%swap3A_100], %swap3A_103 {strides = array<i32>} : memref<512xf32, #tpu.memory_space<vmem>>, vector<16xf32>,
    %get3A_104 = arith.constant 128 : index
    %get3A_105 = tpu.vector_load %arg8[%get3A_104] {strides = array<i32>} : memref<512xf32, #tpu.memory_space<vmem>>, vector<16xf32>,
    %get3A_106 = vector.shape_cast %get3A_105 : vector<16xf32> to vector<16xf32>
    %get3A_107 = arith.constant 128 : index
    %get3A_108 = tpu.vector_load %arg9[%get3A_107] {strides = array<i32>} : memref<512xf32, #tpu.memory_space<vmem>>, vector<16xf32>,
    %get3A_109 = vector.shape_cast %get3A_108 : vector<16xf32> to vector<16xf32>
    %sub3A_110 = arith.subf %get3A_106, %get3A_109 : vector<16xf32>
    %swap3A_111 = arith.constant 128 : index
    %swap3A_112 = tpu.vector_load %arg8[%swap3A_111] {strides = array<i32>} : memref<512xf32, #tpu.memory_space<vmem>>, vector<16xf32>,
    %swap3A_113 = vector.shape_cast %swap3A_112 : vector<16xf32> to vector<16xf32>
    %swap3A_114 = vector.shape_cast %sub3A_110 : vector<16xf32> to vector<16xf32>
    tpu.vector_store %arg8[%swap3A_111], %swap3A_114 {strides = array<i32>} : memref<512xf32, #tpu.memory_space<vmem>>, vector<16xf32>,
    %get3A_115 = arith.constant 144 : index
    %get3A_116 = tpu.vector_load %arg8[%get3A_115] {strides = array<i32>} : memref<512xf32, #tpu.memory_space<vmem>>, vector<16xf32>,
    %get3A_117 = vector.shape_cast %get3A_116 : vector<16xf32> to vector<16xf32>
    %get3A_118 = arith.constant 144 : index
    %get3A_119 = tpu.vector_load %arg9[%get3A_118] {strides = array<i32>} : memref<512xf32, #tpu.memory_space<vmem>>, vector<16xf32>,
    %get3A_120 = vector.shape_cast %get3A_119 : vector<16xf32> to vector<16xf32>
    %sub3A_121 = arith.subf %get3A_117, %get3A_120 : vector<16xf32>
    %swap3A_122 = arith.constant 144 : index
    %swap3A_123 = tpu.vector_load %arg8[%swap3A_122] {strides = array<i32>} : memref<512xf32, #tpu.memory_space<vmem>>, vector<16xf32>,
    %swap3A_124 = vector.shape_cast %swap3A_123 : vector<16xf32> to vector<16xf32>
    %swap3A_125 = vector.shape_cast %sub3A_121 : vector<16xf32> to vector<16xf32>
    tpu.vector_store %arg8[%swap3A_122], %swap3A_125 {strides = array<i32>} : memref<512xf32, #tpu.memory_space<vmem>>, vector<16xf32>,
    %get3A_126 = arith.constant 160 : index
    %get3A_127 = tpu.vector_load %arg8[%get3A_126] {strides = array<i32>} : memref<512xf32, #tpu.memory_space<vmem>>, vector<16xf32>,
    %get3A_128 = vector.shape_cast %get3A_127 : vector<16xf32> to vector<16xf32>
    %get3A_129 = arith.constant 160 : index
    %get3A_130 = tpu.vector_load %arg9[%get3A_129] {strides = array<i32>} : memref<512xf32, #tpu.memory_space<vmem>>, vector<16xf32>,
    %get3A_131 = vector.shape_cast %get3A_130 : vector<16xf32> to vector<16xf32>
    %sub3A_132 = arith.subf %get3A_128, %get3A_131 : vector<16xf32>
    %swap3A_133 = arith.constant 160 : index
    %swap3A_134 = tpu.vector_load %arg8[%swap3A_133] {strides = array<i32>} : memref<512xf32, #tpu.memory_space<vmem>>, vector<16xf32>,
    %swap3A_135 = vector.shape_cast %swap3A_134 : vector<16xf32> to vector<16xf32>
    %swap3A_136 = vector.shape_cast %sub3A_132 : vector<16xf32> to vector<16xf32>
    tpu.vector_store %arg8[%swap3A_133], %swap3A_136 {strides = array<i32>} : memref<512xf32, #tpu.memory_space<vmem>>, vector<16xf32>,
    %get3A_137 = arith.constant 176 : index
    %get3A_138 = tpu.vector_load %arg8[%get3A_137] {strides = array<i32>} : memref<512xf32, #tpu.memory_space<vmem>>, vector<16xf32>,
    %get3A_139 = vector.shape_cast %get3A_138 : vector<16xf32> to vector<16xf32>
    %get3A_140 = arith.constant 176 : index
    %get3A_141 = tpu.vector_load %arg9[%get3A_140] {strides = array<i32>} : memref<512xf32, #tpu.memory_space<vmem>>, vector<16xf32>,
    %get3A_142 = vector.shape_cast %get3A_141 : vector<16xf32> to vector<16xf32>
    %sub3A_143 = arith.subf %get3A_139, %get3A_142 : vector<16xf32>
    %swap3A_144 = arith.constant 176 : index
    %swap3A_145 = tpu.vector_load %arg8[%swap3A_144] {strides = array<i32>} : memref<512xf32, #tpu.memory_space<vmem>>, vector<16xf32>,
    %swap3A_146 = vector.shape_cast %swap3A_145 : vector<16xf32> to vector<16xf32>
    %swap3A_147 = vector.shape_cast %sub3A_143 : vector<16xf32> to vector<16xf32>
    tpu.vector_store %arg8[%swap3A_144], %swap3A_147 {strides = array<i32>} : memref<512xf32, #tpu.memory_space<vmem>>, vector<16xf32>,
    %get3A_148 = arith.constant 192 : index
    %get3A_149 = tpu.vector_load %arg8[%get3A_148] {strides = array<i32>} : memref<512xf32, #tpu.memory_space<vmem>>, vector<16xf32>,
    %get3A_150 = vector.shape_cast %get3A_149 : vector<16xf32> to vector<16xf32>
    %get3A_151 = arith.constant 192 : index
    %get3A_152 = tpu.vector_load %arg9[%get3A_151] {strides = array<i32>} : memref<512xf32, #tpu.memory_space<vmem>>, vector<16xf32>,
    %get3A_153 = vector.shape_cast %get3A_152 : vector<16xf32> to vector<16xf32>
    %sub3A_154 = arith.subf %get3A_150, %get3A_153 : vector<16xf32>
    %swap3A_155 = arith.constant 192 : index
    %swap3A_156 = tpu.vector_load %arg8[%swap3A_155] {strides = array<i32>} : memref<512xf32, #tpu.memory_space<vmem>>, vector<16xf32>,
    %swap3A_157 = vector.shape_cast %swap3A_156 : vector<16xf32> to vector<16xf32>
    %swap3A_158 = vector.shape_cast %sub3A_154 : vector<16xf32> to vector<16xf32>
    tpu.vector_store %arg8[%swap3A_155], %swap3A_158 {strides = array<i32>} : memref<512xf32, #tpu.memory_space<vmem>>, vector<16xf32>,
    %get3A_159 = arith.constant 208 : index
    %get3A_160 = tpu.vector_load %arg8[%get3A_159] {strides = array<i32>} : memref<512xf32, #tpu.memory_space<vmem>>, vector<16xf32>,
    %get3A_161 = vector.shape_cast %get3A_160 : vector<16xf32> to vector<16xf32>
    %get3A_162 = arith.constant 208 : index
    %get3A_163 = tpu.vector_load %arg9[%get3A_162] {strides = array<i32>} : memref<512xf32, #tpu.memory_space<vmem>>, vector<16xf32>,
    %get3A_164 = vector.shape_cast %get3A_163 : vector<16xf32> to vector<16xf32>
    %sub3A_165 = arith.subf %get3A_161, %get3A_164 : vector<16xf32>
    %swap3A_166 = arith.constant 208 : index
    %swap3A_167 = tpu.vector_load %arg8[%swap3A_166] {strides = array<i32>} : memref<512xf32, #tpu.memory_space<vmem>>, vector<16xf32>,
    %swap3A_168 = vector.shape_cast %swap3A_167 : vector<16xf32> to vector<16xf32>
    %swap3A_169 = vector.shape_cast %sub3A_165 : vector<16xf32> to vector<16xf32>
    tpu.vector_store %arg8[%swap3A_166], %swap3A_169 {strides = array<i32>} : memref<512xf32, #tpu.memory_space<vmem>>, vector<16xf32>,
    %get3A_170 = arith.constant 224 : index
    %get3A_171 = tpu.vector_load %arg8[%get3A_170] {strides = array<i32>} : memref<512xf32, #tpu.memory_space<vmem>>, vector<16xf32>,
    %get3A_172 = vector.shape_cast %get3A_171 : vector<16xf32> to vector<16xf32>
    %get3A_173 = arith.constant 224 : index
    %get3A_174 = tpu.vector_load %arg9[%get3A_173] {strides = array<i32>} : memref<512xf32, #tpu.memory_space<vmem>>, vector<16xf32>,
    %get3A_175 = vector.shape_cast %get3A_174 : vector<16xf32> to vector<16xf32>
    %sub3A_176 = arith.subf %get3A_172, %get3A_175 : vector<16xf32>
    %swap3A_177 = arith.constant 224 : index
    %swap3A_178 = tpu.vector_load %arg8[%swap3A_177] {strides = array<i32>} : memref<512xf32, #tpu.memory_space<vmem>>, vector<16xf32>,
    %swap3A_179 = vector.shape_cast %swap3A_178 : vector<16xf32> to vector<16xf32>
    %swap3A_180 = vector.shape_cast %sub3A_176 : vector<16xf32> to vector<16xf32>
    tpu.vector_store %arg8[%swap3A_177], %swap3A_180 {strides = array<i32>} : memref<512xf32, #tpu.memory_space<vmem>>, vector<16xf32>,
    %get3A_181 = arith.constant 240 : index
    %get3A_182 = tpu.vector_load %arg8[%get3A_181] {strides = array<i32>} : memref<512xf32, #tpu.memory_space<vmem>>, vector<16xf32>,
    %get3A_183 = vector.shape_cast %get3A_182 : vector<16xf32> to vector<16xf32>
    %get3A_184 = arith.constant 240 : index
    %get3A_185 = tpu.vector_load %arg9[%get3A_184] {strides = array<i32>} : memref<512xf32, #tpu.memory_space<vmem>>, vector<16xf32>,
    %get3A_186 = vector.shape_cast %get3A_185 : vector<16xf32> to vector<16xf32>
    %sub3A_187 = arith.subf %get3A_183, %get3A_186 : vector<16xf32>
    %swap3A_188 = arith.constant 240 : index
    %swap3A_189 = tpu.vector_load %arg8[%swap3A_188] {strides = array<i32>} : memref<512xf32, #tpu.memory_space<vmem>>, vector<16xf32>,
    %swap3A_190 = vector.shape_cast %swap3A_189 : vector<16xf32> to vector<16xf32>
    %swap3A_191 = vector.shape_cast %sub3A_187 : vector<16xf32> to vector<16xf32>
    tpu.vector_store %arg8[%swap3A_188], %swap3A_191 {strides = array<i32>} : memref<512xf32, #tpu.memory_space<vmem>>, vector<16xf32>,
    %get3A_192 = arith.constant 256 : index
    %get3A_193 = tpu.vector_load %arg8[%get3A_192] {strides = array<i32>} : memref<512xf32, #tpu.memory_space<vmem>>, vector<16xf32>,
    %get3A_194 = vector.shape_cast %get3A_193 : vector<16xf32> to vector<16xf32>
    %get3A_195 = arith.constant 256 : index
    %get3A_196 = tpu.vector_load %arg9[%get3A_195] {strides = array<i32>} : memref<512xf32, #tpu.memory_space<vmem>>, vector<16xf32>,
    %get3A_197 = vector.shape_cast %get3A_196 : vector<16xf32> to vector<16xf32>
    %sub3A_198 = arith.subf %get3A_194, %get3A_197 : vector<16xf32>
    %swap3A_199 = arith.constant 256 : index
    %swap3A_200 = tpu.vector_load %arg8[%swap3A_199] {strides = array<i32>} : memref<512xf32, #tpu.memory_space<vmem>>, vector<16xf32>,
    %swap3A_201 = vector.shape_cast %swap3A_200 : vector<16xf32> to vector<16xf32>
    %swap3A_202 = vector.shape_cast %sub3A_198 : vector<16xf32> to vector<16xf32>
    tpu.vector_store %arg8[%swap3A_199], %swap3A_202 {strides = array<i32>} : memref<512xf32, #tpu.memory_space<vmem>>, vector<16xf32>,
    %get3A_203 = arith.constant 272 : index
    %get3A_204 = tpu.vector_load %arg8[%get3A_203] {strides = array<i32>} : memref<512xf32, #tpu.memory_space<vmem>>, vector<16xf32>,
    %get3A_205 = vector.shape_cast %get3A_204 : vector<16xf32> to vector<16xf32>
    %get3A_206 = arith.constant 272 : index
    %get3A_207 = tpu.vector_load %arg9[%get3A_206] {strides = array<i32>} : memref<512xf32, #tpu.memory_space<vmem>>, vector<16xf32>,
    %get3A_208 = vector.shape_cast %get3A_207 : vector<16xf32> to vector<16xf32>
    %sub3A_209 = arith.subf %get3A_205, %get3A_208 : vector<16xf32>
    %swap3A_210 = arith.constant 272 : index
    %swap3A_211 = tpu.vector_load %arg8[%swap3A_210] {strides = array<i32>} : memref<512xf32, #tpu.memory_space<vmem>>, vector<16xf32>,
    %swap3A_212 = vector.shape_cast %swap3A_211 : vector<16xf32> to vector<16xf32>
    %swap3A_213 = vector.shape_cast %sub3A_209 : vector<16xf32> to vector<16xf32>
    tpu.vector_store %arg8[%swap3A_210], %swap3A_213 {strides = array<i32>} : memref<512xf32, #tpu.memory_space<vmem>>, vector<16xf32>,
    %get3A_214 = arith.constant 288 : index
    %get3A_215 = tpu.vector_load %arg8[%get3A_214] {strides = array<i32>} : memref<512xf32, #tpu.memory_space<vmem>>, vector<16xf32>,
    %get3A_216 = vector.shape_cast %get3A_215 : vector<16xf32> to vector<16xf32>
    %get3A_217 = arith.constant 288 : index
    %get3A_218 = tpu.vector_load %arg9[%get3A_217] {strides = array<i32>} : memref<512xf32, #tpu.memory_space<vmem>>, vector<16xf32>,
    %get3A_219 = vector.shape_cast %get3A_218 : vector<16xf32> to vector<16xf32>
    %sub3A_220 = arith.subf %get3A_216, %get3A_219 : vector<16xf32>
    %swap3A_221 = arith.constant 288 : index
    %swap3A_222 = tpu.vector_load %arg8[%swap3A_221] {strides = array<i32>} : memref<512xf32, #tpu.memory_space<vmem>>, vector<16xf32>,
    %swap3A_223 = vector.shape_cast %swap3A_222 : vector<16xf32> to vector<16xf32>
    %swap3A_224 = vector.shape_cast %sub3A_220 : vector<16xf32> to vector<16xf32>
    tpu.vector_store %arg8[%swap3A_221], %swap3A_224 {strides = array<i32>} : memref<512xf32, #tpu.memory_space<vmem>>, vector<16xf32>,
    %get3A_225 = arith.constant 304 : index
    %get3A_226 = tpu.vector_load %arg8[%get3A_225] {strides = array<i32>} : memref<512xf32, #tpu.memory_space<vmem>>, vector<16xf32>,
    %get3A_227 = vector.shape_cast %get3A_226 : vector<16xf32> to vector<16xf32>
    %get3A_228 = arith.constant 304 : index
    %get3A_229 = tpu.vector_load %arg9[%get3A_228] {strides = array<i32>} : memref<512xf32, #tpu.memory_space<vmem>>, vector<16xf32>,
    %get3A_230 = vector.shape_cast %get3A_229 : vector<16xf32> to vector<16xf32>
    %sub3A_231 = arith.subf %get3A_227, %get3A_230 : vector<16xf32>
    %swap3A_232 = arith.constant 304 : index
    %swap3A_233 = tpu.vector_load %arg8[%swap3A_232] {strides = array<i32>} : memref<512xf32, #tpu.memory_space<vmem>>, vector<16xf32>,
    %swap3A_234 = vector.shape_cast %swap3A_233 : vector<16xf32> to vector<16xf32>
    %swap3A_235 = vector.shape_cast %sub3A_231 : vector<16xf32> to vector<16xf32>
    tpu.vector_store %arg8[%swap3A_232], %swap3A_235 {strides = array<i32>} : memref<512xf32, #tpu.memory_space<vmem>>, vector<16xf32>,
    %get3A_236 = arith.constant 320 : index
    %get3A_237 = tpu.vector_load %arg8[%get3A_236] {strides = array<i32>} : memref<512xf32, #tpu.memory_space<vmem>>, vector<16xf32>,
    %get3A_238 = vector.shape_cast %get3A_237 : vector<16xf32> to vector<16xf32>
    %get3A_239 = arith.constant 320 : index
    %get3A_240 = tpu.vector_load %arg9[%get3A_239] {strides = array<i32>} : memref<512xf32, #tpu.memory_space<vmem>>, vector<16xf32>,
    %get3A_241 = vector.shape_cast %get3A_240 : vector<16xf32> to vector<16xf32>
    %sub3A_242 = arith.subf %get3A_238, %get3A_241 : vector<16xf32>
    %swap3A_243 = arith.constant 320 : index
    %swap3A_244 = tpu.vector_load %arg8[%swap3A_243] {strides = array<i32>} : memref<512xf32, #tpu.memory_space<vmem>>, vector<16xf32>,
    %swap3A_245 = vector.shape_cast %swap3A_244 : vector<16xf32> to vector<16xf32>
    %swap3A_246 = vector.shape_cast %sub3A_242 : vector<16xf32> to vector<16xf32>
    tpu.vector_store %arg8[%swap3A_243], %swap3A_246 {strides = array<i32>} : memref<512xf32, #tpu.memory_space<vmem>>, vector<16xf32>,
    %get3A_247 = arith.constant 336 : index
    %get3A_248 = tpu.vector_load %arg8[%get3A_247] {strides = array<i32>} : memref<512xf32, #tpu.memory_space<vmem>>, vector<16xf32>,
    %get3A_249 = vector.shape_cast %get3A_248 : vector<16xf32> to vector<16xf32>
    %get3A_250 = arith.constant 336 : index
    %get3A_251 = tpu.vector_load %arg9[%get3A_250] {strides = array<i32>} : memref<512xf32, #tpu.memory_space<vmem>>, vector<16xf32>,
    %get3A_252 = vector.shape_cast %get3A_251 : vector<16xf32> to vector<16xf32>
    %sub3A_253 = arith.subf %get3A_249, %get3A_252 : vector<16xf32>
    %swap3A_254 = arith.constant 336 : index
    %swap3A_255 = tpu.vector_load %arg8[%swap3A_254] {strides = array<i32>} : memref<512xf32, #tpu.memory_space<vmem>>, vector<16xf32>,
    %swap3A_256 = vector.shape_cast %swap3A_255 : vector<16xf32> to vector<16xf32>
    %swap3A_257 = vector.shape_cast %sub3A_253 : vector<16xf32> to vector<16xf32>
    tpu.vector_store %arg8[%swap3A_254], %swap3A_257 {strides = array<i32>} : memref<512xf32, #tpu.memory_space<vmem>>, vector<16xf32>,
    %get3A_258 = arith.constant 352 : index
    %get3A_259 = tpu.vector_load %arg8[%get3A_258] {strides = array<i32>} : memref<512xf32, #tpu.memory_space<vmem>>, vector<16xf32>,
    %get3A_260 = vector.shape_cast %get3A_259 : vector<16xf32> to vector<16xf32>
    %get3A_261 = arith.constant 352 : index
    %get3A_262 = tpu.vector_load %arg9[%get3A_261] {strides = array<i32>} : memref<512xf32, #tpu.memory_space<vmem>>, vector<16xf32>,
    %get3A_263 = vector.shape_cast %get3A_262 : vector<16xf32> to vector<16xf32>
    %sub3A_264 = arith.subf %get3A_260, %get3A_263 : vector<16xf32>
    %swap3A_265 = arith.constant 352 : index
    %swap3A_266 = tpu.vector_load %arg8[%swap3A_265] {strides = array<i32>} : memref<512xf32, #tpu.memory_space<vmem>>, vector<16xf32>,
    %swap3A_267 = vector.shape_cast %swap3A_266 : vector<16xf32> to vector<16xf32>
    %swap3A_268 = vector.shape_cast %sub3A_264 : vector<16xf32> to vector<16xf32>
    tpu.vector_store %arg8[%swap3A_265], %swap3A_268 {strides = array<i32>} : memref<512xf32, #tpu.memory_space<vmem>>, vector<16xf32>,
    %get3A_269 = arith.constant 368 : index
    %get3A_270 = tpu.vector_load %arg8[%get3A_269] {strides = array<i32>} : memref<512xf32, #tpu.memory_space<vmem>>, vector<16xf32>,
    %get3A_271 = vector.shape_cast %get3A_270 : vector<16xf32> to vector<16xf32>
    %get3A_272 = arith.constant 368 : index
    %get3A_273 = tpu.vector_load %arg9[%get3A_272] {strides = array<i32>} : memref<512xf32, #tpu.memory_space<vmem>>, vector<16xf32>,
    %get3A_274 = vector.shape_cast %get3A_273 : vector<16xf32> to vector<16xf32>
    %sub3A_275 = arith.subf %get3A_271, %get3A_274 : vector<16xf32>
    %swap3A_276 = arith.constant 368 : index
    %swap3A_277 = tpu.vector_load %arg8[%swap3A_276] {strides = array<i32>} : memref<512xf32, #tpu.memory_space<vmem>>, vector<16xf32>,
    %swap3A_278 = vector.shape_cast %swap3A_277 : vector<16xf32> to vector<16xf32>
    %swap3A_279 = vector.shape_cast %sub3A_275 : vector<16xf32> to vector<16xf32>
    tpu.vector_store %arg8[%swap3A_276], %swap3A_279 {strides = array<i32>} : memref<512xf32, #tpu.memory_space<vmem>>, vector<16xf32>,
    %get3A_280 = arith.constant 384 : index
    %get3A_281 = tpu.vector_load %arg8[%get3A_280] {strides = array<i32>} : memref<512xf32, #tpu.memory_space<vmem>>, vector<16xf32>,
    %get3A_282 = vector.shape_cast %get3A_281 : vector<16xf32> to vector<16xf32>
    %get3A_283 = arith.constant 384 : index
    %get3A_284 = tpu.vector_load %arg9[%get3A_283] {strides = array<i32>} : memref<512xf32, #tpu.memory_space<vmem>>, vector<16xf32>,
    %get3A_285 = vector.shape_cast %get3A_284 : vector<16xf32> to vector<16xf32>
    %sub3A_286 = arith.subf %get3A_282, %get3A_285 : vector<16xf32>
    %swap3A_287 = arith.constant 384 : index
    %swap3A_288 = tpu.vector_load %arg8[%swap3A_287] {strides = array<i32>} : memref<512xf32, #tpu.memory_space<vmem>>, vector<16xf32>,
    %swap3A_289 = vector.shape_cast %swap3A_288 : vector<16xf32> to vector<16xf32>
    %swap3A_290 = vector.shape_cast %sub3A_286 : vector<16xf32> to vector<16xf32>
    tpu.vector_store %arg8[%swap3A_287], %swap3A_290 {strides = array<i32>} : memref<512xf32, #tpu.memory_space<vmem>>, vector<16xf32>,
    %get3A_291 = arith.constant 400 : index
    %get3A_292 = tpu.vector_load %arg8[%get3A_291] {strides = array<i32>} : memref<512xf32, #tpu.memory_space<vmem>>, vector<16xf32>,
    %get3A_293 = vector.shape_cast %get3A_292 : vector<16xf32> to vector<16xf32>
    %get3A_294 = arith.constant 400 : index
    %get3A_295 = tpu.vector_load %arg9[%get3A_294] {strides = array<i32>} : memref<512xf32, #tpu.memory_space<vmem>>, vector<16xf32>,
    %get3A_296 = vector.shape_cast %get3A_295 : vector<16xf32> to vector<16xf32>
    %sub3A_297 = arith.subf %get3A_293, %get3A_296 : vector<16xf32>
    %swap3A_298 = arith.constant 400 : index
    %swap3A_299 = tpu.vector_load %arg8[%swap3A_298] {strides = array<i32>} : memref<512xf32, #tpu.memory_space<vmem>>, vector<16xf32>,
    %swap3A_300 = vector.shape_cast %swap3A_299 : vector<16xf32> to vector<16xf32>
    %swap3A_301 = vector.shape_cast %sub3A_297 : vector<16xf32> to vector<16xf32>
    tpu.vector_store %arg8[%swap3A_298], %swap3A_301 {strides = array<i32>} : memref<512xf32, #tpu.memory_space<vmem>>, vector<16xf32>,
    %get3A_302 = arith.constant 416 : index
    %get3A_303 = tpu.vector_load %arg8[%get3A_302] {strides = array<i32>} : memref<512xf32, #tpu.memory_space<vmem>>, vector<16xf32>,
    %get3A_304 = vector.shape_cast %get3A_303 : vector<16xf32> to vector<16xf32>
    %get3A_305 = arith.constant 416 : index
    %get3A_306 = tpu.vector_load %arg9[%get3A_305] {strides = array<i32>} : memref<512xf32, #tpu.memory_space<vmem>>, vector<16xf32>,
    %get3A_307 = vector.shape_cast %get3A_306 : vector<16xf32> to vector<16xf32>
    %sub3A_308 = arith.subf %get3A_304, %get3A_307 : vector<16xf32>
    %swap3A_309 = arith.constant 416 : index
    %swap3A_310 = tpu.vector_load %arg8[%swap3A_309] {strides = array<i32>} : memref<512xf32, #tpu.memory_space<vmem>>, vector<16xf32>,
    %swap3A_311 = vector.shape_cast %swap3A_310 : vector<16xf32> to vector<16xf32>
    %swap3A_312 = vector.shape_cast %sub3A_308 : vector<16xf32> to vector<16xf32>
    tpu.vector_store %arg8[%swap3A_309], %swap3A_312 {strides = array<i32>} : memref<512xf32, #tpu.memory_space<vmem>>, vector<16xf32>,
    %get3A_313 = arith.constant 432 : index
    %get3A_314 = tpu.vector_load %arg8[%get3A_313] {strides = array<i32>} : memref<512xf32, #tpu.memory_space<vmem>>, vector<16xf32>,
    %get3A_315 = vector.shape_cast %get3A_314 : vector<16xf32> to vector<16xf32>
    %get3A_316 = arith.constant 432 : index
    %get3A_317 = tpu.vector_load %arg9[%get3A_316] {strides = array<i32>} : memref<512xf32, #tpu.memory_space<vmem>>, vector<16xf32>,
    %get3A_318 = vector.shape_cast %get3A_317 : vector<16xf32> to vector<16xf32>
    %sub3A_319 = arith.subf %get3A_315, %get3A_318 : vector<16xf32>
    %swap3A_320 = arith.constant 432 : index
    %swap3A_321 = tpu.vector_load %arg8[%swap3A_320] {strides = array<i32>} : memref<512xf32, #tpu.memory_space<vmem>>, vector<16xf32>,
    %swap3A_322 = vector.shape_cast %swap3A_321 : vector<16xf32> to vector<16xf32>
    %swap3A_323 = vector.shape_cast %sub3A_319 : vector<16xf32> to vector<16xf32>
    tpu.vector_store %arg8[%swap3A_320], %swap3A_323 {strides = array<i32>} : memref<512xf32, #tpu.memory_space<vmem>>, vector<16xf32>,
    %get3A_324 = arith.constant 448 : index
    %get3A_325 = tpu.vector_load %arg8[%get3A_324] {strides = array<i32>} : memref<512xf32, #tpu.memory_space<vmem>>, vector<16xf32>,
    %get3A_326 = vector.shape_cast %get3A_325 : vector<16xf32> to vector<16xf32>
    %get3A_327 = arith.constant 448 : index
    %get3A_328 = tpu.vector_load %arg9[%get3A_327] {strides = array<i32>} : memref<512xf32, #tpu.memory_space<vmem>>, vector<16xf32>,
    %get3A_329 = vector.shape_cast %get3A_328 : vector<16xf32> to vector<16xf32>
    %sub3A_330 = arith.subf %get3A_326, %get3A_329 : vector<16xf32>
    %swap3A_331 = arith.constant 448 : index
    %swap3A_332 = tpu.vector_load %arg8[%swap3A_331] {strides = array<i32>} : memref<512xf32, #tpu.memory_space<vmem>>, vector<16xf32>,
    %swap3A_333 = vector.shape_cast %swap3A_332 : vector<16xf32> to vector<16xf32>
    %swap3A_334 = vector.shape_cast %sub3A_330 : vector<16xf32> to vector<16xf32>
    tpu.vector_store %arg8[%swap3A_331], %swap3A_334 {strides = array<i32>} : memref<512xf32, #tpu.memory_space<vmem>>, vector<16xf32>,
    %get3A_335 = arith.constant 464 : index
    %get3A_336 = tpu.vector_load %arg8[%get3A_335] {strides = array<i32>} : memref<512xf32, #tpu.memory_space<vmem>>, vector<16xf32>,
    %get3A_337 = vector.shape_cast %get3A_336 : vector<16xf32> to vector<16xf32>
    %get3A_338 = arith.constant 464 : index
    %get3A_339 = tpu.vector_load %arg9[%get3A_338] {strides = array<i32>} : memref<512xf32, #tpu.memory_space<vmem>>, vector<16xf32>,
    %get3A_340 = vector.shape_cast %get3A_339 : vector<16xf32> to vector<16xf32>
    %sub3A_341 = arith.subf %get3A_337, %get3A_340 : vector<16xf32>
    %swap3A_342 = arith.constant 464 : index
    %swap3A_343 = tpu.vector_load %arg8[%swap3A_342] {strides = array<i32>} : memref<512xf32, #tpu.memory_space<vmem>>, vector<16xf32>,
    %swap3A_344 = vector.shape_cast %swap3A_343 : vector<16xf32> to vector<16xf32>
    %swap3A_345 = vector.shape_cast %sub3A_341 : vector<16xf32> to vector<16xf32>
    tpu.vector_store %arg8[%swap3A_342], %swap3A_345 {strides = array<i32>} : memref<512xf32, #tpu.memory_space<vmem>>, vector<16xf32>,
    %get3A_346 = arith.constant 480 : index
    %get3A_347 = tpu.vector_load %arg8[%get3A_346] {strides = array<i32>} : memref<512xf32, #tpu.memory_space<vmem>>, vector<16xf32>,
    %get3A_348 = vector.shape_cast %get3A_347 : vector<16xf32> to vector<16xf32>
    %get3A_349 = arith.constant 480 : index
    %get3A_350 = tpu.vector_load %arg9[%get3A_349] {strides = array<i32>} : memref<512xf32, #tpu.memory_space<vmem>>, vector<16xf32>,
    %get3A_351 = vector.shape_cast %get3A_350 : vector<16xf32> to vector<16xf32>
    %sub3A_352 = arith.subf %get3A_348, %get3A_351 : vector<16xf32>
    %swap3A_353 = arith.constant 480 : index
    %swap3A_354 = tpu.vector_load %arg8[%swap3A_353] {strides = array<i32>} : memref<512xf32, #tpu.memory_space<vmem>>, vector<16xf32>,
    %swap3A_355 = vector.shape_cast %swap3A_354 : vector<16xf32> to vector<16xf32>
    %swap3A_356 = vector.shape_cast %sub3A_352 : vector<16xf32> to vector<16xf32>
    tpu.vector_store %arg8[%swap3A_353], %swap3A_356 {strides = array<i32>} : memref<512xf32, #tpu.memory_space<vmem>>, vector<16xf32>,
    %get3A_357 = arith.constant 496 : index
    %get3A_358 = tpu.vector_load %arg8[%get3A_357] {strides = array<i32>} : memref<512xf32, #tpu.memory_space<vmem>>, vector<16xf32>,
    %get3A_359 = vector.shape_cast %get3A_358 : vector<16xf32> to vector<16xf32>
    %get3A_360 = arith.constant 496 : index
    %get3A_361 = tpu.vector_load %arg9[%get3A_360] {strides = array<i32>} : memref<512xf32, #tpu.memory_space<vmem>>, vector<16xf32>,
    %get3A_362 = vector.shape_cast %get3A_361 : vector<16xf32> to vector<16xf32>
    %sub3A_363 = arith.subf %get3A_359, %get3A_362 : vector<16xf32>
    %swap3A_364 = arith.constant 496 : index
    %swap3A_365 = tpu.vector_load %arg8[%swap3A_364] {strides = array<i32>} : memref<512xf32, #tpu.memory_space<vmem>>, vector<16xf32>,
    %swap3A_366 = vector.shape_cast %swap3A_365 : vector<16xf32> to vector<16xf32>
    %swap3A_367 = vector.shape_cast %sub3A_363 : vector<16xf32> to vector<16xf32>
    tpu.vector_store %arg8[%swap3A_364], %swap3A_367 {strides = array<i32>} : memref<512xf32, #tpu.memory_space<vmem>>, vector<16xf32>,
    "tpu.region"() ({
      %run_scoped3A = tpu.sem_alloc : memref<!tpu.dma_semaphore, #tpu.memory_space<semaphore_mem>>
      %dma_start3A_368 = tpu.memref_slice %arg5[%mul3A_2] : memref<16384xf32, #tpu.memory_space<hbm>> -> memref<512xf32, #tpu.memory_space<hbm>>
      %dma_start3A_369 = tpu.memref_slice %arg5[%mul3A_2] : memref<16384xf32, #tpu.memory_space<hbm>> -> memref<512xf32, #tpu.memory_space<hbm>>
      tpu.enqueue_dma source(%arg8 : memref<512xf32, #tpu.memory_space<vmem>>) target(%dma_start3A_369 : memref<512xf32, #tpu.memory_space<hbm>>) target_semaphore(%run_scoped3A : memref<!tpu.dma_semaphore, #tpu.memory_space<semaphore_mem>>)
      %dma_wait3A_370 = tpu.memref_slice %arg5[%mul3A_2] : memref<16384xf32, #tpu.memory_space<hbm>> -> memref<512xf32, #tpu.memory_space<hbm>>
      %dma_wait3A_371 = tpu.memref_slice %arg5[%mul3A_2] : memref<16384xf32, #tpu.memory_space<hbm>> -> memref<512xf32, #tpu.memory_space<hbm>>
      tpu.wait_dma2 semaphore(%run_scoped3A : memref<!tpu.dma_semaphore, #tpu.memory_space<semaphore_mem>>) src(%arg8 : memref<512xf32, #tpu.memory_space<vmem>>) dst(%dma_wait3A_371 : memref<512xf32, #tpu.memory_space<hbm>>)
      tpu.yield
    }) : () -> ()
    return
  }
}

</mosaic_0001>

<sc_bundles>
// kernel: _sc_gather_diff.3.cloned.1.call-start
scs
__scs_entry_jumppad:
0x0: {  	(pc) =	sbr.rel $0x88, $3  }
0x1: {  	(tag) =	ssettag $0x0;
	lr =	simm.s32 $0x1  }
0x2: {  	[smem:$0x3F9E] =	sst lr;
	_ =	strace $0xD0000000  }
0x3: {  	_ = 	snop  }
0x4: {  	_ = 	snop  }
0x5: {  	_ = 	snop  }
0x6: {  	_ = 	snop  }
0x7: {  	_ = 	snop  }
__scs_overlays_trampoline_lowered:
0x8: {  	[smem:$0x3FAD] =	sst s0  }
0x9: {  	[smem:$0x3FAE] =	sst s1  }
0xa: {  	[smem:$0x3FAF] =	sst s2  }
0xb: {  	[smem:$0x3FB0] =	sst s3  }
0xc: {  	[smem:$0x3FB1] =	sst s4  }
0xd: {  	[smem:$0x3FB2] =	sst s5  }
0xe: {  	[smem:$0x3FB3] =	sst s6  }
0xf: {  	[smem:$0x3FB4] =	sst s7  }
0x10: {  	[smem:$0x3FB5] =	sst s8  }
0x11: {  	[smem:$0x3FB6] =	sst s9;
	s0 =	simm.s32 @!p0 $0x0  }
0x12: {  	s1 =	sld [smem:$0x3F9C];
	s0 =	simm.s32 @p0 $0x1  }
0x13: {  	[smem:$0x3FB7] =	sst s0;
	s0 =	simm.s32 @!p1 $0x0  }
0x14: {  	s2 =	sld [smem:$0x3F9B];
	s0 =	simm.s32 @p1 $0x1  }
0x15: {  	[smem:$0x3FB8] =	sst s0;
	s0 =	simm.s32 @!p2 $0x0  }
0x16: {  	s3 =	sld [smem:$0x3FDB];
	s0 =	simm.s32 @p2 $0x1  }
0x17: {  	s4 =	simm.s32 $0x1BF5;
	[smem:$0x3FBA] =	sst s0  }
0x18: {  	s0 =	sld [smem:$0x3F9D];
	_ =	swait.ge [sflag:s4], $0x0  }
0x19: {  	s7 =	sld [smem:$0x3F9E]  }
0x1a: {  	s8 =	sadd.s32 $0xFFFFE003, lr  }
0x1b: {  	s9 =	sadd.s32 $0xFFFFFEF7, lr;
	s5 =	simm.s32 $0xFFFFFFFF;
	p2 =	slt.u32 s8, $0xFFFFF086  }
0x1c: {  	p1 =	slt.u32 s9, $0xF7A;
	s5 =	simm.s32 @!p2 $0x0  }
0x1d: {  	s5 =	simm.s32 @p1 $0x1;
	p0 =	seq.s32 s7, s2  }
0x1e: {  	s7 =	smul.u32 @!p0 $0xF7A, s2;
	p2 =	seq.s32 @!p0 s5, $0x0  }
0x1f: {  	s9 =	smul.u32 $0xF7A, s1;
	s8 =	simm.s32 @!p0 $0x1BF5;
	p2 =	por !p2, p0  }
0x20: {  	[sflag:s8] =	ssyncset.s32 @!p0 $0xFFFFF086;
	s6 =	sadd.s32 @!p0 s3, s7;
	s7 =	simm.s32 @!p0 $0x108  }
0x21: {  	s3 =	sadd.s32 s3, s9;
	s6 =	sadd.s32 @!p0 $0x88, s6;
	s7 =	simm.s32 @p2 $0x1082  }
0x22: {  	[simem:s7], [sflag:s8] =	dma.local @!p0 [hbm:s6], $0xF7A  }
0x23: {  	s9 =	sor.u32 $0xD0000000, s2;
	s6 =	simm.s32 $0x108;
	_ =	swait.ge @!p0 [sflag:s8], $0x0  }
0x24: {  	s3 =	sadd.s32 $0x88, s3;
	s6 =	simm.s32 @!p1 $0x1082;
	[sflag:s4] =	ssyncset.s32 $0xFFFFF086  }
0x25: {  	[simem:s6], [sflag:s4] =	dma.local [hbm:s3], $0xF7A  }
0x26: {  	[smem:$0x3F9E] =	sst s1;
	(tag) =	ssettag s2;
	_ =	strace s9  }
0x27: {  	s1 =	sld [smem:$0x3FAE]  }
0x28: {  	s2 =	sld [smem:$0x3FAF]  }
0x29: {  	s4 =	sld [smem:$0x3FB1]  }
0x2a: {  	p0 =	seq.s32 s5, $0x0;
	s5 =	sld [smem:$0x3FB2]  }
0x2b: {  	s6 =	sld [smem:$0x3FB3]  }
0x2c: {  	s7 =	sld [smem:$0x3FB4]  }
0x2d: {  	s3 =	simm.s32 $0x108;
	s8 =	sld [smem:$0x3FB5]  }
0x2e: {  	s3 =	simm.s32 @!p0 $0x1082;
	s9 =	sld [smem:$0x3FB6]  }
0x2f: {  	lr =	sadd.s32 s0, s3;
	s0 =	sld [smem:$0x3FAD]  }
0x30: {  	s3 =	sld [smem:$0x3FB0]  }
0x31: {  	[smem:$0x3FB9] =	sst s10  }
0x32: {  	s10 =	sld [smem:$0x3FB7];
	_ =	sdelay $0x3  }
0x33: {  	p0 =	seq.s32 s10, $0x1;
	s10 =	sld [smem:$0x3FB9];
	_ =	sdelay $0x3  }
0x34: {  	[smem:$0x3FB9] =	sst s10  }
0x35: {  	s10 =	sld [smem:$0x3FB8];
	_ =	sdelay $0x3  }
0x36: {  	p1 =	seq.s32 s10, $0x1;
	s10 =	sld [smem:$0x3FB9];
	_ =	sdelay $0x3  }
0x37: {  	[smem:$0x3FB9] =	sst s10  }
0x38: {  	s10 =	sld [smem:$0x3FBA]  }
0x39: {  	_ = 	snop;
	(pc) =	sbr.ind lr, $3  }
0x3a: {  	_ = 	snop  }
0x3b: {  	_ = 	snop  }
0x3c: {  	p2 =	seq.s32 s10, $0x1;
	s10 =	sld [smem:$0x3FB9]  }
0x3d: {  	_ =	shalt  }
0x3e: {  	_ =	shalt  }
0x3f: {  	_ =	shalt  }
0x40: {  	_ =	shalt  }
0x41: {  	_ =	shalt  }
0x42: {  	_ =	shalt  }
0x43: {  	_ =	shalt  }
0x44: {  	_ =	shalt  }
0x45: {  	_ =	shalt  }
0x46: {  	_ =	shalt  }
0x47: {  	_ =	shalt  }
0x48: {  	_ =	shalt  }
0x49: {  	_ =	shalt  }
0x4a: {  	_ =	shalt  }
0x4b: {  	_ =	shalt  }
0x4c: {  	_ =	shalt  }
0x4d: {  	_ =	shalt  }
0x4e: {  	_ =	shalt  }
0x4f: {  	_ =	shalt  }
0x50: {  	_ =	shalt  }
0x51: {  	_ =	shalt  }
0x52: {  	_ =	shalt  }
0x53: {  	_ =	shalt  }
0x54: {  	_ =	shalt  }
0x55: {  	_ =	shalt  }
0x56: {  	_ =	shalt  }
0x57: {  	_ =	shalt  }
0x58: {  	_ =	shalt  }
0x59: {  	_ =	shalt  }
0x5a: {  	_ =	shalt  }
0x5b: {  	_ =	shalt  }
0x5c: {  	_ =	shalt  }
0x5d: {  	_ =	shalt  }
0x5e: {  	_ =	shalt  }
0x5f: {  	_ =	shalt  }
0x60: {  	_ =	shalt  }
0x61: {  	_ =	shalt  }
0x62: {  	_ =	shalt  }
0x63: {  	_ =	shalt  }
0x64: {  	_ =	shalt  }
0x65: {  	_ =	shalt  }
0x66: {  	_ =	shalt  }
0x67: {  	_ =	shalt  }
0x68: {  	_ =	shalt  }
0x69: {  	_ =	shalt  }
0x6a: {  	_ =	shalt  }
0x6b: {  	_ =	shalt  }
0x6c: {  	_ =	shalt  }
0x6d: {  	_ =	shalt  }
0x6e: {  	_ =	shalt  }
0x6f: {  	_ =	shalt  }
0x70: {  	_ =	shalt  }
0x71: {  	_ =	shalt  }
0x72: {  	_ =	shalt  }
0x73: {  	_ =	shalt  }
0x74: {  	_ =	shalt  }
0x75: {  	_ =	shalt  }
0x76: {  	_ =	shalt  }
0x77: {  	_ =	shalt  }
0x78: {  	_ =	shalt  }
0x79: {  	_ =	shalt  }
0x7a: {  	_ =	shalt  }
0x7b: {  	_ =	shalt  }
0x7c: {  	_ =	shalt  }
0x7d: {  	_ =	shalt  }
0x7e: {  	_ =	shalt  }
0x7f: {  	_ =	shalt  }
0x80: {  	_ =	shalt  }
0x81: {  	_ =	shalt  }
0x82: {  	_ =	shalt  }
0x83: {  	_ =	shalt  }
0x84: {  	_ =	shalt  }
0x85: {  	_ =	shalt  }
0x86: {  	_ =	shalt  }
0x87: {  	_ =	shalt  }
.Lfunc_end0:
.L_simem_size_0:
called_computation_lowered:
.L_overlay_start_0:
0x88: {  	s2 =	sld [smem:$0x3FD9]  }
0x89: {  	s3 =	sld [smem:$0x3FFE];
	_ =	sdelay $0x1  }
0x8a: {  	s1 =	srdreg.scid  }
0x8b: {  	s0 =	sand.u32 $0x1, s1  }
0x8c: {  	s18 =	sshll.u32 s0, $0xA;
	s2 =	sadd.s32 s3, s2  }
0x8d: {  	s2 =	sadd.s32 s2, s18  }
0x8e: {  	[smem:$0x3FC5] =	sst s2  }
0x8f: {  	_ = 	snop  }
0x90: {  	s2 =	sld [smem:$0x3FC9]  }
0x91: {  	s19 =	sld [smem:$0x3FC8]  }
0x92: {  	s4 =	sld [smem:$0x3FC7]  }
0x93: {  	s5 =	sld [smem:$0x3FD0];
	(tm) =	ssettm $0x1  }
0x94: {  	s6 =	sld [smem:$0x3FFB];
	_ =	sdelay $0x3  }
0x95: {  	_ =	strace s6  }
0x96: {  	s6 =	sld [smem:$0x3FFC];
	_ =	sdelay $0x3  }
0x97: {  	_ =	strace s6  }
0x98: {  	s6 =	sld [smem:$0x3FFD];
	_ =	sdelay $0x3  }
0x99: {  	_ =	strace s6  }
0x9a: {  	_ =	strace $0x8FFFFFFF  }
0x9b: {  	s20 =	sld [smem:$0x3FDB];
	_ =	sdelay $0x1  }
0x9c: {  	s7 =	simm.s32 $_scs_section_size  }
0x9d: {  	s8 =	simm.s32 $_size__tile_overlayer_lowered;
	s9 =	simm.s32 $_tile_overlayer_lowered  }
0x9e: {  	s23 =	simm.s32 $0x1BFF;
	s22 =	sshll.u32 s9, $0x1;
	s6 =	sadd.s32 s7, s20  }
0x9f: {  	s10 =	simm.s32 $0x0;
	s21 =	sshll.u32 s8, $0x1;
	s8 =	sadd.s32 s22, s6  }
0xa0: {  	[timem:s10], [sflag:s23] =	dma.local [hbm:s8], s21  }
0xa1: {  	_ =	swait.ge [sflag:s23], s21  }
0xa2: {  	s7 =	ssub.s32 $0x0, s21;
	[sflag:s23] =	ssyncset.done $0x0  }
0xa3: {  	[sflag:s23] =	ssyncadd.s32 s7;
	_ =	sdelay $0x1  }
0xa4: {  	s24 =	simm.s32 $0x1B8B  }
0xa5: {  	_ =	swait.ge [sflag:s24], $0x1  }
0xa6: {  	[sflag:s24] =	ssyncset.done $0x0  }
0xa7: {  	s25 =	simm.s32 $0x1B8E;
	[sflag:s24] =	ssyncadd.s32 $0xFFFFFFFF  }
0xa8: {  	s26 =	simm.s32 $execute0_lowered;
	[smem:$0x3FD2] =	sst s25  }
0xa9: {  	s7 =	sshll.u32 s26, $0x1;
	_ =	strace $0x80000046;
	[dreg:$0x1] =	wrdreg $0xFFFFFFFF  }
0xaa: {  	s28 =	simm.s32 $_size_execute0_lowered;
	s6 =	sadd.s32 s6, s7;
	[dreg:$0x0] =	wrdreg $0x0  }
0xab: {  	s7 =	sshll.u32 s28, $0x1;
	[dreg:$0x2] =	wrdreg s6  }
0xac: {  	[dreg:$0x3] =	wrdreg s7  }
0xad: {  	[dreg:$0x4] =	wrdreg $0xC0  }
0xae: {  	_ =	task [dreg:s10], $0x5FFFF  }
0xaf: {  	[dreg:$0x1] =	wrdreg $0xFFFFFFFF  }
0xb0: {  	[dreg:$0x0] =	wrdreg $0x60  }
0xb1: {  	[dreg:$0x2] =	wrdreg s2  }
0xb2: {  	[dreg:$0x3] =	wrdreg s19  }
0xb3: {  	[dreg:$0x4] =	wrdreg s4  }
0xb4: {  	[dreg:$0x5] =	wrdreg s5  }
0xb5: {  	[dreg:$0x6] =	wrdreg $0x8000  }
0xb6: {  	[dreg:$0x7] =	wrdreg $0x9  }
0xb7: {  	_ =	task.clear_ibuf [dreg:s10], $0x8FFFF;
	_ =	strace $0x90000046  }
0xb8: {  	s29 =	simm.s32 $0x9;
	_ =	strace $0x80000048  }
0xb9: {  	_ =	swait.ge [sflag:s29], $0x1  }
0xba: {  	[sflag:s29] =	ssyncadd.s32 $0xFFFFFFFF  }
0xbb: {  	_ =	strace $0x90000048  }
0xbc: {  	_ =	sfence  }
0xbd: {  	s30 =	sld [smem:$0x0];
	_ =	sdelay $0x2  }
0xbe: {  	s31 =	sshll.u32 s1, $0xD;
	s1 =	sshrl.u32 s1, $0x2  }
0xbf: {  	s3 =	sand.u32 $0x4000, s31;
	s1 =	sadd.s32 s1, s30  }
0xc0: {  	s0 =	sor.u32 s3, s0;
	s1 =	sshll.u32 s1, $0x11  }
0xc1: {  	s0 =	sor.u32 s1, s0  }
0xc2: {  	s0 =	sadd.s32 $0x8F2B, s0  }
0xc3: {  	[sflag:s0] =	ssyncadd.remote.s32 $0x1  }
0xc4: {  	_ =	sfence.sel $0xFFFF  }
0xc5: {  	[dreg:$0x0] =	wrdreg $0xFFFFFFFF;
	(pc) =	sbr.abs _section_cstart, $3  }
0xc6: {  	[dreg:$0x1] =	wrdreg $0xFFFFFFFF  }
0xc7: {  	_ =	task.clear_ibuf [dreg:s10], $0x2FFFF;
	_ =	strace $0x9FFFFFFF  }
0xc8: {  	(tm) =	ssettm $0x7FFFFFFF  }
0xc9: {  	_ =	shalt  }
tec
execute0_lowered:
.L_overlay_start_1:
0x0: {  	(tag) =	ssettag $0x1  }
0x1: {  	s0 =	rddreg [dreg:$0x0]  }
0x2: {  	s4 =	rddreg [dreg:$0x1]  }
0x3: {  	s5 =	rddreg [dreg:$0x2]  }
0x4: {  	s6 =	rddreg [dreg:$0x3]  }
0x5: {  	s2 =	rddreg [dreg:$0x4];
	s7 =	srdreg.scid  }
0x6: {  	s1 =	rddreg [dreg:$0x5];
	s3 =	simm.s32 $0x0;
	s8 =	stileid.u32  }
0x7: {  	s12 =	simm.s32 $0x2;
	s13 =	simm.s32 $0x600;
	s14 =	simm.s32 $0x3  }
0x8: {  	s7 =	sand.u32 $0x1, s7;
	[smem:$0x7FF] =	sst s3;
	s11 =	sshll.u32 s8, $0x7  }
0x9: {  	p0 =	sne.s32 s8, $0x0;
	s8 =	simm.s32 $0x200;
	s9 =	ssub.s32 $0x2, s7  }
0xa: {  	s7 =	sshll.u32 s7, $0x6;
	_ =	strace $0x80000047;
	s10 =	sshrl.u32 s9, $0x1  }
0xb: {  	s7 =	sor.u32 s7, s11;
	s11 =	simm.s32 $0x400;
	s9 =	ssub.s32 s9, s10  }
0xc: {  	s4 =	sadd.s32 s4, s7;
	s5 =	sadd.s32 s5, s7;
	s6 =	sadd.s32 s6, s7  }
0xd: {  	s10 =	simm.s32 $0x1;
	s7 =	smax.u32 s9, $0x1;
	s9 =	sshrl.u32 @!p0 s2, $0x3  }
.LBB2_1:
0xe: {  	[tilespmem:s3], [sflag:$0x1] =	stream.linear.gather [hbm4b:s4+s3], $0x200, $0x38;
	[tilespmem:$0x2070] =	vst v63  }
0xf: {  	s15 =	simm.s32 @!p0 $0x1C03  }
0x10: {  	[tilespmem:s8], [sflag:$0x2] =	stream.linear.gather [hbm4b:s5+s3], $0x200, $0x38;
	[tilespmem:$0x2070] =	vst v63  }
0x11: {  	[spmem:s9], [sflag:s15] =	dma.local @!p0 [hbm:s0], $0x30E0  }
0x12: {  	s15 =	simm.s32 @!p0 $0x3  }
0x13: {  	_ =	swait.ge @!p0 [sflag:s15], $0x30E0  }
0x14: {  	[sflag:s15] =	ssyncset.done @!p0 $0x0  }
0x15: {  	[sflag:s15] =	ssyncadd.s32 @!p0 $0xFFFFCF20  }
0x16: {  	[bflag:$0x0] =	sbarrier.arrive $0xFFFF  }
0x17: {  	_ =	swait.ge [sflag:s10], $0x200  }
0x18: {  	[sflag:s10] =	ssyncset.done $0x0  }
0x19: {  	[sflag:s10] =	ssyncadd.s32 $0xFFFFFE00  }
0x1a: {  	[tilespmem:s11], [sflag:$0x1] =	stream.indirect.gather [spmem:s2], $0x1, s3, s8, $0xb8;
	[tilespmem:$0x2070] =	vst v63  }
0x1b: {  	_ =	swait.ge [sflag:s12], $0x200  }
0x1c: {  	[sflag:s12] =	ssyncset.done $0x0  }
0x1d: {  	[sflag:s12] =	ssyncadd.s32 $0xFFFFFE00  }
0x1e: {  	[tilespmem:s13], [sflag:$0x2] =	stream.indirect.gather [spmem:s2], $0x1, s8, s8, $0xb8;
	[tilespmem:$0x2070] =	vst v63  }
0x1f: {  	_ =	swait.ge [sflag:s10], $0x200  }
0x20: {  	[sflag:s10] =	ssyncset.done $0x0  }
0x21: {  	[sflag:s10] =	ssyncadd.s32 $0xFFFFFE00  }
0x22: {  	_ =	swait.ge [sflag:s12], $0x200  }
0x23: {  	[sflag:s12] =	ssyncset.done $0x0  }
0x24: {  	[sflag:s12] =	ssyncadd.s32 $0xFFFFFE00  }
0x25: {  	v0 =	vld [tilespmem:$0x400]  }
0x26: {  	v1 =	vld [tilespmem:$0x600]  }
0x27: {  	v2 =	vld [tilespmem:$0x410]  }
0x28: {  	v3 =	vld [tilespmem:$0x610]  }
0x29: {  	v4 =	vld [tilespmem:$0x420]  }
0x2a: {  	v5 =	vld [tilespmem:$0x620]  }
0x2b: {  	v6 =	vld [tilespmem:$0x430]  }
0x2c: {  	v7 =	vld [tilespmem:$0x630]  }
0x2d: {  	v8 =	vld [tilespmem:$0x440]  }
0x2e: {  	v9 =	vld [tilespmem:$0x640]  }
0x2f: {  	v10 =	vld [tilespmem:$0x450]  }
0x30: {  	v11 =	vld [tilespmem:$0x650]  }
0x31: {  	v12 =	vld [tilespmem:$0x460]  }
0x32: {  	v13 =	vld [tilespmem:$0x660]  }
0x33: {  	v14 =	vld [tilespmem:$0x470]  }
0x34: {  	v15 =	vld [tilespmem:$0x670]  }
0x35: {  	v16 =	vld [tilespmem:$0x480]  }
0x36: {  	v17 =	vld [tilespmem:$0x680]  }
0x37: {  	v18 =	vld [tilespmem:$0x490]  }
0x38: {  	v19 =	vld [tilespmem:$0x690]  }
0x39: {  	v20 =	vld [tilespmem:$0x4A0]  }
0x3a: {  	v21 =	vld [tilespmem:$0x6A0]  }
0x3b: {  	v22 =	vld [tilespmem:$0x4B0]  }
0x3c: {  	v23 =	vld [tilespmem:$0x6B0]  }
0x3d: {  	v24 =	vld [tilespmem:$0x4C0]  }
0x3e: {  	v25 =	vld [tilespmem:$0x6C0]  }
0x3f: {  	v26 =	vld [tilespmem:$0x4D0]  }
0x40: {  	v27 =	vld [tilespmem:$0x6D0]  }
0x41: {  	v28 =	vld [tilespmem:$0x4E0]  }
0x42: {  	v29 =	vld [tilespmem:$0x6E0]  }
0x43: {  	v30 =	vld [tilespmem:$0x4F0]  }
0x44: {  	v31 =	vld [tilespmem:$0x6F0]  }
0x45: {  	v32 =	vld [tilespmem:$0x500]  }
0x46: {  	v33 =	vld [tilespmem:$0x700]  }
0x47: {  	v34 =	vld [tilespmem:$0x510]  }
0x48: {  	v35 =	vld [tilespmem:$0x710]  }
0x49: {  	v36 =	vld [tilespmem:$0x520]  }
0x4a: {  	v46 =	vld [tilespmem:$0x720];
	v0 =	vsub.f32 v0, v1  }
0x4b: {  	v47 =	vld [tilespmem:$0x530];
	v2 =	vsub.f32 v2, v3  }
0x4c: {  	v49 =	vld [tilespmem:$0x730];
	v48 =	vsub.f32 v4, v5;
	[tilespmem:$0x400] =	vst v0  }
0x4d: {  	v51 =	vld [tilespmem:$0x540];
	v50 =	vsub.f32 v6, v7;
	[tilespmem:$0x410] =	vst v2  }
0x4e: {  	v53 =	vld [tilespmem:$0x740];
	v52 =	vsub.f32 v8, v9;
	[tilespmem:$0x420] =	vst v48  }
0x4f: {  	v55 =	vld [tilespmem:$0x550];
	v54 =	vsub.f32 v10, v11;
	[tilespmem:$0x430] =	vst v50  }
0x50: {  	v57 =	vld [tilespmem:$0x750];
	v56 =	vsub.f32 v12, v13;
	[tilespmem:$0x440] =	vst v52  }
0x51: {  	v59 =	vld [tilespmem:$0x560];
	v58 =	vsub.f32 v14, v15;
	[tilespmem:$0x450] =	vst v54  }
0x52: {  	v61 =	vld [tilespmem:$0x760];
	v60 =	vsub.f32 v16, v17;
	[tilespmem:$0x460] =	vst v56  }
0x53: {  	v63 =	vld [tilespmem:$0x570];
	v62 =	vsub.f32 v18, v19;
	[tilespmem:$0x470] =	vst v58  }
0x54: {  	v37 =	vld [tilespmem:$0x5A0];
	v20 =	vsub.f32 v20, v21;
	[tilespmem:$0x480] =	vst v60  }
0x55: {  	v39 =	vld [tilespmem:$0x7A0];
	v22 =	vsub.f32 v22, v23;
	[tilespmem:$0x490] =	vst v62  }
0x56: {  	v41 =	vld [tilespmem:$0x5B0];
	v24 =	vsub.f32 v24, v25;
	[tilespmem:$0x4A0] =	vst v20  }
0x57: {  	v43 =	vld [tilespmem:$0x7B0];
	v26 =	vsub.f32 v26, v27;
	[tilespmem:$0x4B0] =	vst v22  }
0x58: {  	v45 =	vld [tilespmem:$0x5C0];
	v28 =	vsub.f32 v28, v29;
	[tilespmem:$0x4C0] =	vst v24  }
0x59: {  	v21 =	vld [tilespmem:$0x770];
	v31 =	vsub.f32 v30, v31;
	[tilespmem:$0x4D0] =	vst v26  }
0x5a: {  	v23 =	vld [tilespmem:$0x580];
	v38 =	vsub.f32 v32, v33;
	[tilespmem:$0x4E0] =	vst v28  }
0x5b: {  	v25 =	vld [tilespmem:$0x780];
	v40 =	vsub.f32 v34, v35;
	[tilespmem:$0x4F0] =	vst v31  }
0x5c: {  	v27 =	vld [tilespmem:$0x590];
	v42 =	vsub.f32 v36, v46;
	[tilespmem:$0x500] =	vst v38  }
0x5d: {  	v29 =	vld [tilespmem:$0x790];
	v44 =	vsub.f32 v47, v49;
	[tilespmem:$0x510] =	vst v40  }
0x5e: {  	v46 =	vsub.f32 v51, v53;
	v47 =	vld [tilespmem:$0x7C0];
	[tilespmem:$0x520] =	vst v42  }
0x5f: {  	v49 =	vld [tilespmem:$0x5D0];
	v1 =	vsub.f32 v41, v43;
	[tilespmem:$0x530] =	vst v44  }
0x60: {  	v51 =	vld [tilespmem:$0x7D0];
	v48 =	vsub.f32 v55, v57;
	[tilespmem:$0x540] =	vst v46  }
0x61: {  	v53 =	vld [tilespmem:$0x5E0];
	v50 =	vsub.f32 v59, v61;
	[tilespmem:$0x5B0] =	vst v1  }
0x62: {  	v55 =	vld [tilespmem:$0x7E0];
	v58 =	vsub.f32 v37, v39;
	[tilespmem:$0x550] =	vst v48  }
0x63: {  	v57 =	vld [tilespmem:$0x5F0];
	[tilespmem:$0x560] =	vst v50;
	v52 =	vsub.f32 v63, v21  }
0x64: {  	v59 =	vld [tilespmem:$0x7F0];
	[tilespmem:$0x5A0] =	vst v58;
	v54 =	vsub.f32 v23, v25  }
0x65: {  	v56 =	vsub.f32 v27, v29;
	[tilespmem:$0x570] =	vst v52  }
0x66: {  	v60 =	vsub.f32 v45, v47;
	[tilespmem:$0x580] =	vst v54  }
0x67: {  	v61 =	vsub.f32 v49, v51;
	[tilespmem:$0x590] =	vst v56  }
0x68: {  	[tilespmem:$0x5C0] =	vst v60;
	v62 =	vsub.f32 v53, v55  }
0x69: {  	s7 =	sadd.s32 $0xFFFFFFFF, s7;
	[tilespmem:$0x5D0] =	vst v61;
	v63 =	vsub.f32 v57, v59  }
0x6a: {  	p1 =	sne.s32 s7, $0x0;
	[tilespmem:$0x5E0] =	vst v62  }
.Ltmp0:
0x6b: {  	[tilespmem:$0x5F0] =	vst v63;
	(pc) =	sbr.rel @p1 .LBB2_1-.Ltmp0, $4  }
0x6c: {  	[hbm4b:s6+s3] =	stream.linear.scatter [tilespmem:s11], [sflag:$0x3], $0x200, $0x38;
	[tilespmem:$0x2070] =	vst v63  }
0x6d: {  	_ =	swait.ge [sflag:s14], $0x200  }
0x6e: {  	[sflag:s14] =	ssyncset.done $0x0  }
0x6f: {  	[sflag:s14] =	ssyncadd.s32 $0xFFFFFE00  }
0x70: {  	_ =	sfence.sel $0x180000  }
0x71: {  	[bflag:$0x0] =	sbarrier.arrive $0xFFFF  }
0x72: {  	_ =	strace $0x90000047  }
0x73: {  	s0 =	sadd.s32 @!p0 $0x100000, s1;
	[bflag:$0x2] =	sbarrier.arrive $0xFFFF  }
0x74: {  	[sflag:s0] =	ssyncadd.tile.s32 @!p0 $0x1;
	_ =	shalt  }
.Lfunc_end2:
_tile_overlayer_lowered:
.L_overlay_start_2:
0x75: {  	(tag) =	ssettag $0x2  }
0x76: {  	s0 =	rddreg [dreg:$0x0];
	s2 =	stileid.u32  }
0x77: {  	s1 =	rddreg [dreg:$0x1];
	p0 =	sne.s32 s2, $0x0  }
0x78: {  	s3 =	rddreg [dreg:$0x2];
	[bflag:$0x3] =	sbarrier.arrive $0xFFFF;
	s2 =	simm.s32 @!p0 $0x1C03  }
0x79: {  	[timem:s3], [sflag:s2] =	dma.local @!p0 [hbm:s0], s1  }
0x7a: {  	s0 =	simm.s32 @!p0 $0x3  }
0x7b: {  	_ =	swait.ge @!p0 [sflag:s0], s1  }
0x7c: {  	s1 =	ssub.s32 @!p0 $0x0, s1;
	[sflag:s0] =	ssyncset.done @!p0 $0x0  }
0x7d: {  	[sflag:s0] =	ssyncadd.s32 @!p0 s1  }
0x7e: {  	[bflag:$0x3] =	sbarrier.arrive $0xFFFF  }
0x7f: {  	_ =	shalt  }

</sc_bundles>
